<compile_context>
chip_gen: v7x
topology: tpu7x:2x2x1
jax: 0.10.2.dev20260603
libtpu: 0.0.44.dev20260713+nightly
codegen_flags: <defaults>
</compile_context>

<pallas_src>
import jax
import jax.numpy as jnp
from jax import lax
from jax.experimental import pallas as pl
from jax.experimental.pallas import tpu as pltpu
from jax.experimental.pallas import tpu_sc as plsc

_N = 1048576
_C = 89
_NC = 2
_NS = 16
_NW = _NC * _NS
_EPW = _N // _NW
_EG = _EPW // 16
_MAP_PAD = 96
_NT = _MAP_PAD // 16

_BLK = 16384
_GRID = _N // _BLK


def _sc_gather_body(a_hbm, map_hbm, idx_hbm, map_v, a_v, idx_v):
    wid = lax.axis_index("s") * _NC + lax.axis_index("c")
    pltpu.sync_copy(map_hbm, map_v.at[pl.ds(0, 90)])
    base = wid * _EPW
    pltpu.sync_copy(a_hbm.at[pl.ds(base, _EPW)], a_v)

    tabs = [jnp.maximum(map_v[pl.ds(16 * k, 16)], 0) for k in range(_NT)]

    def step(g, carry):
        av = a_v[pl.ds(g * 16, 16)]
        av = jnp.clip(av, 0, _C)
        sub = av & 15
        hi = av >> 4
        idx = tabs[0].at[sub].get(mode="promise_in_bounds")
        for k in range(1, _NT):
            t = tabs[k].at[sub].get(mode="promise_in_bounds")
            idx = jnp.where(hi == k, t, idx)
        idx_v[pl.ds(g * 16, 16)] = idx
        return carry

    lax.fori_loop(0, _EG, step, 0)
    pltpu.sync_copy(idx_v, idx_hbm.at[pl.ds(base, _EPW)])


def _tc_onehot_body(idx_ref, out_ref):
    idx = idx_ref[0, 0, :]
    row = lax.broadcasted_iota(jnp.int32, (_C, _BLK), 0)
    out_ref[...] = (row == idx.reshape(1, _BLK)).astype(jnp.float32)


def kernel(atomic_numbers, index_map):
    a = atomic_numbers.astype(jnp.int32)
    m = index_map.astype(jnp.int32)

    mesh = plsc.VectorSubcoreMesh(core_axis_name="c", subcore_axis_name="s")
    idx = pl.kernel(
        _sc_gather_body,
        out_type=jax.ShapeDtypeStruct((_N,), jnp.int32),
        mesh=mesh,
        compiler_params=pltpu.CompilerParams(needs_layout_passes=False),
        scratch_types=[
            pltpu.VMEM((_MAP_PAD,), jnp.int32),
            pltpu.VMEM((_EPW,), jnp.int32),
            pltpu.VMEM((_EPW,), jnp.int32),
        ],
    )(a, m)

    oh_t = pl.pallas_call(
        _tc_onehot_body,
        out_shape=jax.ShapeDtypeStruct((_C, _N), jnp.float32),
        grid=(_GRID,),
        in_specs=[pl.BlockSpec((1, 1, _BLK), lambda g: (g, 0, 0))],
        out_specs=pl.BlockSpec((_C, _BLK), lambda g: (0, g)),
        compiler_params=pltpu.CompilerParams(
            dimension_semantics=("parallel",),
        ),
    )(idx.reshape(_GRID, 1, _BLK))
    return oh_t.T

# --- scband reference (transcript-rebuilt; emitter-appended) ---
"""Pipeline reference for scband-node-encoder-75359496175938 (READ-ONLY COPY).

The authoritative reference and input builder live on the scoring server;
editing this copy changes nothing except your own understanding.
"""

import jax, jax.numpy as jnp
import numpy as np

NUM_CLASSES = 89
MAX_Z = 89
N = 1048576


def _build_index_map():
    zs = list(range(1, 90))
    im = np.full((MAX_Z + 1,), -1, dtype=np.int64)
    for i, z in enumerate(zs):
        im[z] = i
    return jnp.asarray(im)


def setup_inputs(seed: int = 0) -> dict:
    key = jax.random.key(seed)
    atomic_numbers = jax.random.randint(key, (N,), 0, 90, dtype=jnp.int64)
    index_map = _build_index_map()
    return {"atomic_numbers": atomic_numbers, "index_map": index_map}


def reference(atomic_numbers, index_map):
    # indices = self.index_map[atomic_numbers]
    indices = jnp.take(index_map, atomic_numbers, axis=0)
    # indices[indices < 0] = 0
    indices = jnp.where(indices < 0, 0, indices)
    # one-hot via scatter-overwrite (torch scatter_ with value=1)
    n = indices.shape[0]
    oh = jnp.zeros((n, NUM_CLASSES), dtype=jnp.float32)
    oh = oh.at[jnp.arange(n), indices].set(1.0)
    return oh

if __name__ == "__main__":
    import jax
    _d = setup_inputs()
    print(jax.jit(kernel)(*tuple(_d.values())))

</pallas_src>

<mosaic_0001>
#map = affine_map<(d0, d1) -> (0)>
module attributes {stable_mosaic.version = 14 : i64} {
  func.func @_sc_gather_body(%arg0: i32, %arg1: i32, %arg2: memref<1048576xi32, #tpu.memory_space<hbm>>, %arg3: memref<90xi32, #tpu.memory_space<hbm>>, %arg4: memref<1048576xi32, #tpu.memory_space<hbm>>, %arg5: memref<96xi32, #tpu.memory_space<vmem>>, %arg6: memref<32768xi32, #tpu.memory_space<vmem>>, %arg7: memref<32768xi32, #tpu.memory_space<vmem>>) attributes {dimension_semantics = [#tpu.dimension_semantics<core_parallel>, #tpu.dimension_semantics<subcore_parallel>], iteration_bounds = array<i64: 2, 16>, scalar_prefetch = 0 : i64, scratch_operands = 3 : i64, tpu.core_type = #tpu.core_type<sc_vector_subcore>, window_params = [{transform_indices = #map}, {transform_indices = #map}, {transform_indices = #map}]} {
    %mul3A = arith.constant 2 : i32
    %mul3A_0 = arith.muli %arg1, %mul3A : i32
    %add3A = arith.addi %mul3A_0, %arg0 : i32
    "tpu.region"() ({
      %run_scoped3A = tpu.sem_alloc : memref<!tpu.dma_semaphore, #tpu.memory_space<semaphore_mem>>
      %dma_start3A = arith.constant 0 : i32
      %dma_start3A_36 = tpu.memref_slice %arg5[%dma_start3A] : memref<96xi32, #tpu.memory_space<vmem>> -> memref<90xi32, #tpu.memory_space<vmem>>
      %dma_start3A_37 = arith.constant 0 : i32
      %dma_start3A_38 = tpu.memref_slice %arg5[%dma_start3A_37] : memref<96xi32, #tpu.memory_space<vmem>> -> memref<90xi32, #tpu.memory_space<vmem>>
      tpu.enqueue_dma source(%arg3 : memref<90xi32, #tpu.memory_space<hbm>>) target(%dma_start3A_38 : memref<90xi32, #tpu.memory_space<vmem>>) target_semaphore(%run_scoped3A : memref<!tpu.dma_semaphore, #tpu.memory_space<semaphore_mem>>)
      %dma_wait3A = arith.constant 0 : i32
      %dma_wait3A_39 = tpu.memref_slice %arg5[%dma_wait3A] : memref<96xi32, #tpu.memory_space<vmem>> -> memref<90xi32, #tpu.memory_space<vmem>>
      %dma_wait3A_40 = arith.constant 0 : i32
      %dma_wait3A_41 = tpu.memref_slice %arg5[%dma_wait3A_40] : memref<96xi32, #tpu.memory_space<vmem>> -> memref<90xi32, #tpu.memory_space<vmem>>
      tpu.wait_dma2 semaphore(%run_scoped3A : memref<!tpu.dma_semaphore, #tpu.memory_space<semaphore_mem>>) src(%arg3 : memref<90xi32, #tpu.memory_space<hbm>>) dst(%dma_wait3A_41 : memref<90xi32, #tpu.memory_space<vmem>>)
      tpu.yield
    }) : () -> ()
    %mul3A_1 = arith.constant 32768 : i32
    %mul3A_2 = arith.muli %add3A, %mul3A_1 : i32
    "tpu.region"() ({
      %run_scoped3A = tpu.sem_alloc : memref<!tpu.dma_semaphore, #tpu.memory_space<semaphore_mem>>
      %dma_start3A = tpu.memref_slice %arg2[%mul3A_2] : memref<1048576xi32, #tpu.memory_space<hbm>> -> memref<32768xi32, #tpu.memory_space<hbm>>
      %dma_start3A_36 = tpu.memref_slice %arg2[%mul3A_2] : memref<1048576xi32, #tpu.memory_space<hbm>> -> memref<32768xi32, #tpu.memory_space<hbm>>
      tpu.enqueue_dma source(%dma_start3A_36 : memref<32768xi32, #tpu.memory_space<hbm>>) target(%arg6 : memref<32768xi32, #tpu.memory_space<vmem>>) target_semaphore(%run_scoped3A : memref<!tpu.dma_semaphore, #tpu.memory_space<semaphore_mem>>)
      %dma_wait3A = tpu.memref_slice %arg2[%mul3A_2] : memref<1048576xi32, #tpu.memory_space<hbm>> -> memref<32768xi32, #tpu.memory_space<hbm>>
      %dma_wait3A_37 = tpu.memref_slice %arg2[%mul3A_2] : memref<1048576xi32, #tpu.memory_space<hbm>> -> memref<32768xi32, #tpu.memory_space<hbm>>
      tpu.wait_dma2 semaphore(%run_scoped3A : memref<!tpu.dma_semaphore, #tpu.memory_space<semaphore_mem>>) src(%dma_wait3A_37 : memref<32768xi32, #tpu.memory_space<hbm>>) dst(%arg6 : memref<32768xi32, #tpu.memory_space<vmem>>)
      tpu.yield
    }) : () -> ()
    %get3A = arith.constant 0 : index
    %get3A_3 = tpu.vector_load %arg5[%get3A] {strides = array<i32>} : memref<96xi32, #tpu.memory_space<vmem>>, vector<16xi32>,
    %max3A = arith.constant 0 : i32
    %max3A_4 = vector.broadcast %max3A : i32 to vector<16xi32>
    %max3A_5 = arith.maxsi %get3A_3, %max3A_4 : vector<16xi32>
    %get3A_6 = arith.constant 16 : index
    %get3A_7 = tpu.vector_load %arg5[%get3A_6] {strides = array<i32>} : memref<96xi32, #tpu.memory_space<vmem>>, vector<16xi32>,
    %max3A_8 = arith.constant 0 : i32
    %max3A_9 = vector.broadcast %max3A_8 : i32 to vector<16xi32>
    %max3A_10 = arith.maxsi %get3A_7, %max3A_9 : vector<16xi32>
    %get3A_11 = arith.constant 32 : index
    %get3A_12 = tpu.vector_load %arg5[%get3A_11] {strides = array<i32>} : memref<96xi32, #tpu.memory_space<vmem>>, vector<16xi32>,
    %max3A_13 = arith.constant 0 : i32
    %max3A_14 = vector.broadcast %max3A_13 : i32 to vector<16xi32>
    %max3A_15 = arith.maxsi %get3A_12, %max3A_14 : vector<16xi32>
    %get3A_16 = arith.constant 48 : index
    %get3A_17 = tpu.vector_load %arg5[%get3A_16] {strides = array<i32>} : memref<96xi32, #tpu.memory_space<vmem>>, vector<16xi32>,
    %max3A_18 = arith.constant 0 : i32
    %max3A_19 = vector.broadcast %max3A_18 : i32 to vector<16xi32>
    %max3A_20 = arith.maxsi %get3A_17, %max3A_19 : vector<16xi32>
    %get3A_21 = arith.constant 64 : index
    %get3A_22 = tpu.vector_load %arg5[%get3A_21] {strides = array<i32>} : memref<96xi32, #tpu.memory_space<vmem>>, vector<16xi32>,
    %max3A_23 = arith.constant 0 : i32
    %max3A_24 = vector.broadcast %max3A_23 : i32 to vector<16xi32>
    %max3A_25 = arith.maxsi %get3A_22, %max3A_24 : vector<16xi32>
    %get3A_26 = arith.constant 80 : index
    %get3A_27 = tpu.vector_load %arg5[%get3A_26] {strides = array<i32>} : memref<96xi32, #tpu.memory_space<vmem>>, vector<16xi32>,
    %max3A_28 = arith.constant 0 : i32
    %max3A_29 = vector.broadcast %max3A_28 : i32 to vector<16xi32>
    %max3A_30 = arith.maxsi %get3A_27, %max3A_29 : vector<16xi32>
    %scan3A = arith.constant 0 : i32
    %scan3A_31 = arith.constant 0 : i32
    %scan3A_32 = arith.constant 2048 : i32
    %scan3A_33 = arith.addi %scan3A_31, %scan3A_32 : i32
    %scan3A_34 = arith.constant 1 : i32
    scf.for %scan3A_36 = %scan3A_31 to %scan3A_33 step %scan3A_34  : i32 {
      %mul3A_37 = arith.constant 16 : i32
      %mul3A_38 = arith.muli %scan3A_36, %mul3A_37 : i32
      %get3A_39 = arith.index_cast %mul3A_38 : i32 to index
      %get3A_40 = tpu.vector_load %arg6[%get3A_39] {strides = array<i32>} : memref<32768xi32, #tpu.memory_space<vmem>>, vector<16xi32>,
      %jit3A = arith.constant 0 : i32
      %jit3A_41 = arith.constant 89 : i32
      %max3A_42 = vector.broadcast %jit3A : i32 to vector<16xi32>
      %max3A_43 = arith.maxsi %max3A_42, %get3A_40 : vector<16xi32>
      %min3A = vector.broadcast %jit3A_41 : i32 to vector<16xi32>
      %min3A_44 = arith.minsi %min3A, %max3A_43 : vector<16xi32>
      %and3A = arith.constant 15 : i32
      %and3A_45 = vector.broadcast %and3A : i32 to vector<16xi32>
      %and3A_46 = arith.andi %min3A_44, %and3A_45 : vector<16xi32>
      %shift_right_arithmetic3A = arith.constant 4 : i32
      %shift_right_arithmetic3A_47 = vector.broadcast %shift_right_arithmetic3A : i32 to vector<16xi32>
      %shift_right_arithmetic3A_48 = arith.shrsi %min3A_44, %shift_right_arithmetic3A_47 : vector<16xi32>
      %lt3A = arith.constant 0 : i32
      %lt3A_49 = vector.broadcast %lt3A : i32 to vector<16xi32>
      %lt3A_50 = arith.cmpi slt, %and3A_46, %lt3A_49 : vector<16xi32>
      %add3A_51 = arith.constant 16 : i32
      %add3A_52 = vector.broadcast %add3A_51 : i32 to vector<16xi32>
      %add3A_53 = arith.addi %and3A_46, %add3A_52 : vector<16xi32>
      %select_n3A = arith.select %lt3A_50, %add3A_53, %and3A_46 : vector<16xi1>, vector<16xi32>
      %broadcast_in_dim3A = vector.shape_cast %select_n3A : vector<16xi32> to vector<16x1xi32>
      %gather3A = vector.shape_cast %broadcast_in_dim3A : vector<16x1xi32> to vector<16xi32>
      %gather3A_54 = tpu.dynamic_gather %max3A_5[%gather3A] in [0] : vector<16xi32>, vector<16xi32> -> vector<16xi32>
      %lt3A_55 = arith.constant 0 : i32
      %lt3A_56 = vector.broadcast %lt3A_55 : i32 to vector<16xi32>
      %lt3A_57 = arith.cmpi slt, %and3A_46, %lt3A_56 : vector<16xi32>
      %add3A_58 = arith.constant 16 : i32
      %add3A_59 = vector.broadcast %add3A_58 : i32 to vector<16xi32>
      %add3A_60 = arith.addi %and3A_46, %add3A_59 : vector<16xi32>
      %select_n3A_61 = arith.select %lt3A_57, %add3A_60, %and3A_46 : vector<16xi1>, vector<16xi32>
      %broadcast_in_dim3A_62 = vector.shape_cast %select_n3A_61 : vector<16xi32> to vector<16x1xi32>
      %gather3A_63 = vector.shape_cast %broadcast_in_dim3A_62 : vector<16x1xi32> to vector<16xi32>
      %gather3A_64 = tpu.dynamic_gather %max3A_10[%gather3A_63] in [0] : vector<16xi32>, vector<16xi32> -> vector<16xi32>
      %eq3A = arith.constant 1 : i32
      %eq3A_65 = vector.broadcast %eq3A : i32 to vector<16xi32>
      %eq3A_66 = arith.cmpi eq, %shift_right_arithmetic3A_48, %eq3A_65 : vector<16xi32>
      %select_n3A_67 = arith.select %eq3A_66, %gather3A_64, %gather3A_54 : vector<16xi1>, vector<16xi32>
      %lt3A_68 = arith.constant 0 : i32
      %lt3A_69 = vector.broadcast %lt3A_68 : i32 to vector<16xi32>
      %lt3A_70 = arith.cmpi slt, %and3A_46, %lt3A_69 : vector<16xi32>
      %add3A_71 = arith.constant 16 : i32
      %add3A_72 = vector.broadcast %add3A_71 : i32 to vector<16xi32>
      %add3A_73 = arith.addi %and3A_46, %add3A_72 : vector<16xi32>
      %select_n3A_74 = arith.select %lt3A_70, %add3A_73, %and3A_46 : vector<16xi1>, vector<16xi32>
      %broadcast_in_dim3A_75 = vector.shape_cast %select_n3A_74 : vector<16xi32> to vector<16x1xi32>
      %gather3A_76 = vector.shape_cast %broadcast_in_dim3A_75 : vector<16x1xi32> to vector<16xi32>
      %gather3A_77 = tpu.dynamic_gather %max3A_15[%gather3A_76] in [0] : vector<16xi32>, vector<16xi32> -> vector<16xi32>
      %eq3A_78 = arith.constant 2 : i32
      %eq3A_79 = vector.broadcast %eq3A_78 : i32 to vector<16xi32>
      %eq3A_80 = arith.cmpi eq, %shift_right_arithmetic3A_48, %eq3A_79 : vector<16xi32>
      %select_n3A_81 = arith.select %eq3A_80, %gather3A_77, %select_n3A_67 : vector<16xi1>, vector<16xi32>
      %lt3A_82 = arith.constant 0 : i32
      %lt3A_83 = vector.broadcast %lt3A_82 : i32 to vector<16xi32>
      %lt3A_84 = arith.cmpi slt, %and3A_46, %lt3A_83 : vector<16xi32>
      %add3A_85 = arith.constant 16 : i32
      %add3A_86 = vector.broadcast %add3A_85 : i32 to vector<16xi32>
      %add3A_87 = arith.addi %and3A_46, %add3A_86 : vector<16xi32>
      %select_n3A_88 = arith.select %lt3A_84, %add3A_87, %and3A_46 : vector<16xi1>, vector<16xi32>
      %broadcast_in_dim3A_89 = vector.shape_cast %select_n3A_88 : vector<16xi32> to vector<16x1xi32>
      %gather3A_90 = vector.shape_cast %broadcast_in_dim3A_89 : vector<16x1xi32> to vector<16xi32>
      %gather3A_91 = tpu.dynamic_gather %max3A_20[%gather3A_90] in [0] : vector<16xi32>, vector<16xi32> -> vector<16xi32>
      %eq3A_92 = arith.constant 3 : i32
      %eq3A_93 = vector.broadcast %eq3A_92 : i32 to vector<16xi32>
      %eq3A_94 = arith.cmpi eq, %shift_right_arithmetic3A_48, %eq3A_93 : vector<16xi32>
      %select_n3A_95 = arith.select %eq3A_94, %gather3A_91, %select_n3A_81 : vector<16xi1>, vector<16xi32>
      %lt3A_96 = arith.constant 0 : i32
      %lt3A_97 = vector.broadcast %lt3A_96 : i32 to vector<16xi32>
      %lt3A_98 = arith.cmpi slt, %and3A_46, %lt3A_97 : vector<16xi32>
      %add3A_99 = arith.constant 16 : i32
      %add3A_100 = vector.broadcast %add3A_99 : i32 to vector<16xi32>
      %add3A_101 = arith.addi %and3A_46, %add3A_100 : vector<16xi32>
      %select_n3A_102 = arith.select %lt3A_98, %add3A_101, %and3A_46 : vector<16xi1>, vector<16xi32>
      %broadcast_in_dim3A_103 = vector.shape_cast %select_n3A_102 : vector<16xi32> to vector<16x1xi32>
      %gather3A_104 = vector.shape_cast %broadcast_in_dim3A_103 : vector<16x1xi32> to vector<16xi32>
      %gather3A_105 = tpu.dynamic_gather %max3A_25[%gather3A_104] in [0] : vector<16xi32>, vector<16xi32> -> vector<16xi32>
      %eq3A_106 = arith.constant 4 : i32
      %eq3A_107 = vector.broadcast %eq3A_106 : i32 to vector<16xi32>
      %eq3A_108 = arith.cmpi eq, %shift_right_arithmetic3A_48, %eq3A_107 : vector<16xi32>
      %select_n3A_109 = arith.select %eq3A_108, %gather3A_105, %select_n3A_95 : vector<16xi1>, vector<16xi32>
      %lt3A_110 = arith.constant 0 : i32
      %lt3A_111 = vector.broadcast %lt3A_110 : i32 to vector<16xi32>
      %lt3A_112 = arith.cmpi slt, %and3A_46, %lt3A_111 : vector<16xi32>
      %add3A_113 = arith.constant 16 : i32
      %add3A_114 = vector.broadcast %add3A_113 : i32 to vector<16xi32>
      %add3A_115 = arith.addi %and3A_46, %add3A_114 : vector<16xi32>
      %select_n3A_116 = arith.select %lt3A_112, %add3A_115, %and3A_46 : vector<16xi1>, vector<16xi32>
      %broadcast_in_dim3A_117 = vector.shape_cast %select_n3A_116 : vector<16xi32> to vector<16x1xi32>
      %gather3A_118 = vector.shape_cast %broadcast_in_dim3A_117 : vector<16x1xi32> to vector<16xi32>
      %gather3A_119 = tpu.dynamic_gather %max3A_30[%gather3A_118] in [0] : vector<16xi32>, vector<16xi32> -> vector<16xi32>
      %eq3A_120 = arith.constant 5 : i32
      %eq3A_121 = vector.broadcast %eq3A_120 : i32 to vector<16xi32>
      %eq3A_122 = arith.cmpi eq, %shift_right_arithmetic3A_48, %eq3A_121 : vector<16xi32>
      %select_n3A_123 = arith.select %eq3A_122, %gather3A_119, %select_n3A_109 : vector<16xi1>, vector<16xi32>
      %mul3A_124 = arith.constant 16 : i32
      %mul3A_125 = arith.muli %scan3A_36, %mul3A_124 : i32
      %swap3A = arith.index_cast %mul3A_125 : i32 to index
      %swap3A_126 = tpu.vector_load %arg7[%swap3A] {strides = array<i32>} : memref<32768xi32, #tpu.memory_space<vmem>>, vector<16xi32>,
      tpu.vector_store %arg7[%swap3A], %select_n3A_123 {strides = array<i32>} : memref<32768xi32, #tpu.memory_space<vmem>>, vector<16xi32>,
    }
    %scan3A_35 = arith.constant 2048 : i32
    "tpu.region"() ({
      %run_scoped3A = tpu.sem_alloc : memref<!tpu.dma_semaphore, #tpu.memory_space<semaphore_mem>>
      %dma_start3A = tpu.memref_slice %arg4[%mul3A_2] : memref<1048576xi32, #tpu.memory_space<hbm>> -> memref<32768xi32, #tpu.memory_space<hbm>>
      %dma_start3A_36 = tpu.memref_slice %arg4[%mul3A_2] : memref<1048576xi32, #tpu.memory_space<hbm>> -> memref<32768xi32, #tpu.memory_space<hbm>>
      tpu.enqueue_dma source(%arg7 : memref<32768xi32, #tpu.memory_space<vmem>>) target(%dma_start3A_36 : memref<32768xi32, #tpu.memory_space<hbm>>) target_semaphore(%run_scoped3A : memref<!tpu.dma_semaphore, #tpu.memory_space<semaphore_mem>>)
      %dma_wait3A = tpu.memref_slice %arg4[%mul3A_2] : memref<1048576xi32, #tpu.memory_space<hbm>> -> memref<32768xi32, #tpu.memory_space<hbm>>
      %dma_wait3A_37 = tpu.memref_slice %arg4[%mul3A_2] : memref<1048576xi32, #tpu.memory_space<hbm>> -> memref<32768xi32, #tpu.memory_space<hbm>>
      tpu.wait_dma2 semaphore(%run_scoped3A : memref<!tpu.dma_semaphore, #tpu.memory_space<semaphore_mem>>) src(%arg7 : memref<32768xi32, #tpu.memory_space<vmem>>) dst(%dma_wait3A_37 : memref<32768xi32, #tpu.memory_space<hbm>>)
      tpu.yield
    }) : () -> ()
    return
  }
}

module attributes {stable_mosaic.version = 14 : i64} {
  func.func @_tc_onehot_body(%arg0: i32, %arg1: memref<1x1x16384xi32, #tpu.memory_space<vmem>>, %arg2: memref<89x16384xf32, #tpu.memory_space<vmem>>) attributes {dimension_semantics = [#tpu.dimension_semantics<parallel>], iteration_bounds = array<i64: 64>, scalar_prefetch = 0 : i64, scratch_operands = 0 : i64, tpu.core_type = #tpu.core_type<tc>, window_params = [{transform_indices = @transform_0, window_bounds = array<i64: 1, 1, 16384>}, {transform_indices = @transform_1, window_bounds = array<i64: 89, 16384>}]} {
    %get3A = arith.constant 0 : index
    %get3A_0 = arith.constant 0 : index
    %get3A_1 = arith.constant 0 : index
    %get3A_2 = vector.load %arg1[%get3A, %get3A_0, %get3A_1] : memref<1x1x16384xi32, #tpu.memory_space<vmem>>, vector<1x1x16384xi32>
    %get3A_3 = vector.shape_cast %get3A_2 : vector<1x1x16384xi32> to vector<16384xi32>
    %iota3A = tpu.iota {dimensions = array<i32: 0>} : vector<89x16384xi32>
    %reshape3A = vector.shape_cast %get3A_3 : vector<16384xi32> to vector<1x16384xi32>
    %eq3A = vector.broadcast %reshape3A : vector<1x16384xi32> to vector<89x16384xi32>
    %eq3A_4 = arith.cmpi eq, %iota3A, %eq3A : vector<89x16384xi32>
    %convert_element_type3A = arith.extui %eq3A_4 : vector<89x16384xi1> to vector<89x16384xi32>
    %convert_element_type3A_5 = arith.sitofp %convert_element_type3A : vector<89x16384xi32> to vector<89x16384xf32>
    %swap3A = arith.constant 0 : index
    %swap3A_6 = arith.constant 0 : index
    %swap3A_7 = vector.load %arg2[%swap3A, %swap3A_6] : memref<89x16384xf32, #tpu.memory_space<vmem>>, vector<89x16384xf32>
    tpu.vector_store %arg2[%swap3A, %swap3A_6], %convert_element_type3A_5 {strides = array<i32>} : memref<89x16384xf32, #tpu.memory_space<vmem>>, vector<89x16384xf32>,
    return
  }
  func.func @transform_0(%arg0: i32) -> (i32, i32, i32) {
    %c0_i32 = arith.constant 0 : i32
    %c0_i32_0 = arith.constant 0 : i32
    %c0_i32_1 = arith.constant 0 : i32
    return %arg0, %c0_i32, %c0_i32_0 : i32, i32, i32
  }
  func.func @transform_1(%arg0: i32) -> (i32, i32) {
    %c0_i32 = arith.constant 0 : i32
    %c0_i32_0 = arith.constant 0 : i32
    return %c0_i32, %arg0 : i32, i32
  }
}

</mosaic_0001>

<sc_bundles>
// kernel: kernel.4.cloned.1.call-start
scs
__scs_entry_jumppad:
0x0: {  	(pc) =	sbr.rel $0x88, $3  }
0x1: {  	(tag) =	ssettag $0x0;
	lr =	simm.s32 $0x1  }
0x2: {  	[smem:$0x3F9F] =	sst lr;
	_ =	strace $0xD0000000  }
0x3: {  	_ = 	snop  }
0x4: {  	_ = 	snop  }
0x5: {  	_ = 	snop  }
0x6: {  	_ = 	snop  }
0x7: {  	_ = 	snop  }
__scs_overlays_trampoline_lowered:
0x8: {  	[smem:$0x3FAE] =	sst s0  }
0x9: {  	[smem:$0x3FAF] =	sst s1  }
0xa: {  	[smem:$0x3FB0] =	sst s2  }
0xb: {  	[smem:$0x3FB1] =	sst s3  }
0xc: {  	[smem:$0x3FB2] =	sst s4  }
0xd: {  	[smem:$0x3FB3] =	sst s5  }
0xe: {  	[smem:$0x3FB4] =	sst s6  }
0xf: {  	[smem:$0x3FB5] =	sst s7  }
0x10: {  	[smem:$0x3FB6] =	sst s8  }
0x11: {  	[smem:$0x3FB7] =	sst s9;
	s0 =	simm.s32 @!p0 $0x0  }
0x12: {  	s1 =	sld [smem:$0x3F9D];
	s0 =	simm.s32 @p0 $0x1  }
0x13: {  	[smem:$0x3FB8] =	sst s0;
	s0 =	simm.s32 @!p1 $0x0  }
0x14: {  	s2 =	sld [smem:$0x3F9C];
	s0 =	simm.s32 @p1 $0x1  }
0x15: {  	[smem:$0x3FB9] =	sst s0;
	s0 =	simm.s32 @!p2 $0x0  }
0x16: {  	s3 =	sld [smem:$0x3FDB];
	s0 =	simm.s32 @p2 $0x1  }
0x17: {  	s4 =	simm.s32 $0x1BF5;
	[smem:$0x3FBB] =	sst s0  }
0x18: {  	s0 =	sld [smem:$0x3F9E];
	_ =	swait.ge [sflag:s4], $0x0  }
0x19: {  	s7 =	sld [smem:$0x3F9F]  }
0x1a: {  	s8 =	sadd.s32 $0xFFFFE003, lr  }
0x1b: {  	s9 =	sadd.s32 $0xFFFFFEF7, lr;
	s5 =	simm.s32 $0xFFFFFFFF;
	p2 =	slt.u32 s8, $0xFFFFF086  }
0x1c: {  	p1 =	slt.u32 s9, $0xF7A;
	s5 =	simm.s32 @!p2 $0x0  }
0x1d: {  	s5 =	simm.s32 @p1 $0x1;
	p0 =	seq.s32 s7, s2  }
0x1e: {  	s7 =	smul.u32 @!p0 $0xF7A, s2;
	p2 =	seq.s32 @!p0 s5, $0x0  }
0x1f: {  	s9 =	smul.u32 $0xF7A, s1;
	s8 =	simm.s32 @!p0 $0x1BF5;
	p2 =	por !p2, p0  }
0x20: {  	[sflag:s8] =	ssyncset.s32 @!p0 $0xFFFFF086;
	s6 =	sadd.s32 @!p0 s3, s7;
	s7 =	simm.s32 @!p0 $0x108  }
0x21: {  	s3 =	sadd.s32 s3, s9;
	s6 =	sadd.s32 @!p0 $0x88, s6;
	s7 =	simm.s32 @p2 $0x1082  }
0x22: {  	[simem:s7], [sflag:s8] =	dma.local @!p0 [hbm:s6], $0xF7A  }
0x23: {  	s9 =	sor.u32 $0xD0000000, s2;
	s6 =	simm.s32 $0x108;
	_ =	swait.ge @!p0 [sflag:s8], $0x0  }
0x24: {  	s3 =	sadd.s32 $0x88, s3;
	s6 =	simm.s32 @!p1 $0x1082;
	[sflag:s4] =	ssyncset.s32 $0xFFFFF086  }
0x25: {  	[simem:s6], [sflag:s4] =	dma.local [hbm:s3], $0xF7A  }
0x26: {  	[smem:$0x3F9F] =	sst s1;
	(tag) =	ssettag s2;
	_ =	strace s9  }
0x27: {  	s1 =	sld [smem:$0x3FAF]  }
0x28: {  	s2 =	sld [smem:$0x3FB0]  }
0x29: {  	s4 =	sld [smem:$0x3FB2]  }
0x2a: {  	p0 =	seq.s32 s5, $0x0;
	s5 =	sld [smem:$0x3FB3]  }
0x2b: {  	s6 =	sld [smem:$0x3FB4]  }
0x2c: {  	s7 =	sld [smem:$0x3FB5]  }
0x2d: {  	s3 =	simm.s32 $0x108;
	s8 =	sld [smem:$0x3FB6]  }
0x2e: {  	s3 =	simm.s32 @!p0 $0x1082;
	s9 =	sld [smem:$0x3FB7]  }
0x2f: {  	lr =	sadd.s32 s0, s3;
	s0 =	sld [smem:$0x3FAE]  }
0x30: {  	s3 =	sld [smem:$0x3FB1]  }
0x31: {  	[smem:$0x3FBA] =	sst s10  }
0x32: {  	s10 =	sld [smem:$0x3FB8];
	_ =	sdelay $0x3  }
0x33: {  	p0 =	seq.s32 s10, $0x1;
	s10 =	sld [smem:$0x3FBA];
	_ =	sdelay $0x3  }
0x34: {  	[smem:$0x3FBA] =	sst s10  }
0x35: {  	s10 =	sld [smem:$0x3FB9];
	_ =	sdelay $0x3  }
0x36: {  	p1 =	seq.s32 s10, $0x1;
	s10 =	sld [smem:$0x3FBA];
	_ =	sdelay $0x3  }
0x37: {  	[smem:$0x3FBA] =	sst s10  }
0x38: {  	s10 =	sld [smem:$0x3FBB]  }
0x39: {  	_ = 	snop;
	(pc) =	sbr.ind lr, $3  }
0x3a: {  	_ = 	snop  }
0x3b: {  	_ = 	snop  }
0x3c: {  	p2 =	seq.s32 s10, $0x1;
	s10 =	sld [smem:$0x3FBA]  }
0x3d: {  	_ =	shalt  }
0x3e: {  	_ =	shalt  }
0x3f: {  	_ =	shalt  }
0x40: {  	_ =	shalt  }
0x41: {  	_ =	shalt  }
0x42: {  	_ =	shalt  }
0x43: {  	_ =	shalt  }
0x44: {  	_ =	shalt  }
0x45: {  	_ =	shalt  }
0x46: {  	_ =	shalt  }
0x47: {  	_ =	shalt  }
0x48: {  	_ =	shalt  }
0x49: {  	_ =	shalt  }
0x4a: {  	_ =	shalt  }
0x4b: {  	_ =	shalt  }
0x4c: {  	_ =	shalt  }
0x4d: {  	_ =	shalt  }
0x4e: {  	_ =	shalt  }
0x4f: {  	_ =	shalt  }
0x50: {  	_ =	shalt  }
0x51: {  	_ =	shalt  }
0x52: {  	_ =	shalt  }
0x53: {  	_ =	shalt  }
0x54: {  	_ =	shalt  }
0x55: {  	_ =	shalt  }
0x56: {  	_ =	shalt  }
0x57: {  	_ =	shalt  }
0x58: {  	_ =	shalt  }
0x59: {  	_ =	shalt  }
0x5a: {  	_ =	shalt  }
0x5b: {  	_ =	shalt  }
0x5c: {  	_ =	shalt  }
0x5d: {  	_ =	shalt  }
0x5e: {  	_ =	shalt  }
0x5f: {  	_ =	shalt  }
0x60: {  	_ =	shalt  }
0x61: {  	_ =	shalt  }
0x62: {  	_ =	shalt  }
0x63: {  	_ =	shalt  }
0x64: {  	_ =	shalt  }
0x65: {  	_ =	shalt  }
0x66: {  	_ =	shalt  }
0x67: {  	_ =	shalt  }
0x68: {  	_ =	shalt  }
0x69: {  	_ =	shalt  }
0x6a: {  	_ =	shalt  }
0x6b: {  	_ =	shalt  }
0x6c: {  	_ =	shalt  }
0x6d: {  	_ =	shalt  }
0x6e: {  	_ =	shalt  }
0x6f: {  	_ =	shalt  }
0x70: {  	_ =	shalt  }
0x71: {  	_ =	shalt  }
0x72: {  	_ =	shalt  }
0x73: {  	_ =	shalt  }
0x74: {  	_ =	shalt  }
0x75: {  	_ =	shalt  }
0x76: {  	_ =	shalt  }
0x77: {  	_ =	shalt  }
0x78: {  	_ =	shalt  }
0x79: {  	_ =	shalt  }
0x7a: {  	_ =	shalt  }
0x7b: {  	_ =	shalt  }
0x7c: {  	_ =	shalt  }
0x7d: {  	_ =	shalt  }
0x7e: {  	_ =	shalt  }
0x7f: {  	_ =	shalt  }
0x80: {  	_ =	shalt  }
0x81: {  	_ =	shalt  }
0x82: {  	_ =	shalt  }
0x83: {  	_ =	shalt  }
0x84: {  	_ =	shalt  }
0x85: {  	_ =	shalt  }
0x86: {  	_ =	shalt  }
0x87: {  	_ =	shalt  }
.Lfunc_end0:
.L_simem_size_0:
called_computation_lowered:
.L_overlay_start_0:
0x88: {  	s2 =	sld [smem:$0x3FD9]  }
0x89: {  	s3 =	sld [smem:$0x3FFE];
	_ =	sdelay $0x1  }
0x8a: {  	s1 =	srdreg.scid  }
0x8b: {  	s0 =	sand.u32 $0x1, s1  }
0x8c: {  	s18 =	sshll.u32 s0, $0xA;
	s2 =	sadd.s32 s3, s2  }
0x8d: {  	s2 =	sadd.s32 s2, s18  }
0x8e: {  	[smem:$0x3FC6] =	sst s2  }
0x8f: {  	_ = 	snop  }
0x90: {  	s2 =	sld [smem:$0x3FC9]  }
0x91: {  	s19 =	sld [smem:$0x3FC8]  }
0x92: {  	s4 =	sld [smem:$0x3FD0];
	(tm) =	ssettm $0x1  }
0x93: {  	s5 =	sld [smem:$0x3FFB];
	_ =	sdelay $0x3  }
0x94: {  	_ =	strace s5  }
0x95: {  	s5 =	sld [smem:$0x3FFC];
	_ =	sdelay $0x3  }
0x96: {  	_ =	strace s5  }
0x97: {  	s5 =	sld [smem:$0x3FFD];
	_ =	sdelay $0x3  }
0x98: {  	_ =	strace s5  }
0x99: {  	_ =	strace $0x8FFFFFFF  }
0x9a: {  	s20 =	sld [smem:$0x3FDB];
	_ =	sdelay $0x1  }
0x9b: {  	s6 =	simm.s32 $_scs_section_size  }
0x9c: {  	s7 =	simm.s32 $_size__tile_overlayer_lowered;
	s8 =	simm.s32 $_tile_overlayer_lowered  }
0x9d: {  	s23 =	simm.s32 $0x1BFF;
	s22 =	sshll.u32 s8, $0x1;
	s5 =	sadd.s32 s6, s20  }
0x9e: {  	s9 =	simm.s32 $0x0;
	s21 =	sshll.u32 s7, $0x1;
	s7 =	sadd.s32 s22, s5  }
0x9f: {  	[timem:s9], [sflag:s23] =	dma.local [hbm:s7], s21  }
0xa0: {  	_ =	swait.ge [sflag:s23], s21  }
0xa1: {  	s6 =	ssub.s32 $0x0, s21;
	[sflag:s23] =	ssyncset.done $0x0  }
0xa2: {  	[sflag:s23] =	ssyncadd.s32 s6;
	_ =	sdelay $0x1  }
0xa3: {  	s24 =	simm.s32 $0x1B8B  }
0xa4: {  	_ =	swait.ge [sflag:s24], $0x1  }
0xa5: {  	[sflag:s24] =	ssyncset.done $0x0  }
0xa6: {  	s25 =	simm.s32 $0x1B8E;
	[sflag:s24] =	ssyncadd.s32 $0xFFFFFFFF  }
0xa7: {  	s26 =	simm.s32 $execute0_lowered;
	[smem:$0x3FD2] =	sst s25  }
0xa8: {  	s6 =	sshll.u32 s26, $0x1;
	_ =	strace $0x80000046;
	[dreg:$0x1] =	wrdreg $0xFFFFFFFF  }
0xa9: {  	s28 =	simm.s32 $_size_execute0_lowered;
	s5 =	sadd.s32 s5, s6;
	[dreg:$0x0] =	wrdreg $0x0  }
0xaa: {  	s6 =	sshll.u32 s28, $0x1;
	[dreg:$0x2] =	wrdreg s5  }
0xab: {  	[dreg:$0x3] =	wrdreg s6  }
0xac: {  	[dreg:$0x4] =	wrdreg $0xC0  }
0xad: {  	_ =	task [dreg:s9], $0x5FFFF  }
0xae: {  	[dreg:$0x1] =	wrdreg $0xFFFFFFFF  }
0xaf: {  	[dreg:$0x0] =	wrdreg $0x60  }
0xb0: {  	[dreg:$0x2] =	wrdreg s2  }
0xb1: {  	[dreg:$0x3] =	wrdreg s19  }
0xb2: {  	[dreg:$0x4] =	wrdreg s4  }
0xb3: {  	[dreg:$0x5] =	wrdreg $0x9  }
0xb4: {  	_ =	task.clear_ibuf [dreg:s9], $0x6FFFF;
	_ =	strace $0x90000046  }
0xb5: {  	s29 =	simm.s32 $0x9;
	_ =	strace $0x80000048  }
0xb6: {  	_ =	swait.ge [sflag:s29], $0x1  }
0xb7: {  	[sflag:s29] =	ssyncadd.s32 $0xFFFFFFFF  }
0xb8: {  	_ =	strace $0x90000048  }
0xb9: {  	_ =	sfence  }
0xba: {  	s30 =	sld [smem:$0x0];
	_ =	sdelay $0x2  }
0xbb: {  	s31 =	sshll.u32 s1, $0xD;
	s1 =	sshrl.u32 s1, $0x2  }
0xbc: {  	s3 =	sand.u32 $0x4000, s31;
	s1 =	sadd.s32 s1, s30  }
0xbd: {  	s0 =	sor.u32 s3, s0;
	s1 =	sshll.u32 s1, $0x11  }
0xbe: {  	s0 =	sor.u32 s1, s0  }
0xbf: {  	s0 =	sadd.s32 $0x8F2B, s0  }
0xc0: {  	[sflag:s0] =	ssyncadd.remote.s32 $0x1  }
0xc1: {  	_ =	sfence.sel $0xFFFF  }
0xc2: {  	[dreg:$0x0] =	wrdreg $0xFFFFFFFF;
	(pc) =	sbr.abs _section_cstart, $3  }
0xc3: {  	[dreg:$0x1] =	wrdreg $0xFFFFFFFF  }
0xc4: {  	_ =	task.clear_ibuf [dreg:s9], $0x2FFFF;
	_ =	strace $0x9FFFFFFF  }
0xc5: {  	(tm) =	ssettm $0x7FFFFFFF  }
tec
execute0_lowered:
.L_overlay_start_1:
0x0: {  	(tag) =	ssettag $0x1  }
0x1: {  	s4 =	rddreg [dreg:$0x0]  }
0x2: {  	s1 =	rddreg [dreg:$0x1]  }
0x3: {  	s5 =	rddreg [dreg:$0x2]  }
0x4: {  	s0 =	rddreg [dreg:$0x3];
	s6 =	srdreg.scid  }
0x5: {  	s3 =	simm.s32 $0x0;
	s2 =	stileid.u32;
	s10 =	simm.s32 $0x0  }
0x6: {  	s6 =	sand.u32 $0x1, s6;
	s8 =	sshll.u32 s2, $0xD;
	[smem:$0x7FF] =	sst s3  }
0x7: {  	s7 =	ssub.s32 $0x2, s6;
	s6 =	sshll.u32 s6, $0xC;
	_ =	strace $0x80000047  }
0x8: {  	s9 =	sshrl.u32 s7, $0x1;
	s6 =	sor.u32 s6, s8;
	s8 =	simm.s32 $0x80  }
0x9: {  	s7 =	ssub.s32 s7, s9;
	s4 =	sadd.s32 s4, s6;
	s5 =	sadd.s32 s5, s6  }
0xa: {  	s9 =	simm.s32 $0x8080;
	s6 =	smax.u32 s7, $0x1;
	s7 =	simm.s32 $0x1  }
.LBB2_1:
0xb: {  	[tilespmem:s3], [sflag:$0x1] =	stream.linear.gather [hbm4b:s1+s3], $0x5A, $0x38;
	[tilespmem:$0x10080] =	vst v63  }
0xc: {  	_ =	swait.ge [sflag:s7], $0x5A  }
0xd: {  	[sflag:s7] =	ssyncset.done $0x0  }
0xe: {  	[sflag:s7] =	ssyncadd.s32 $0xFFFFFFA6  }
0xf: {  	[tilespmem:s8], [sflag:$0x1] =	stream.linear.gather [hbm4b:s4+s3], $0x8000, $0x38;
	[tilespmem:$0x10080] =	vst v63  }
0x10: {  	_ =	swait.ge [sflag:s7], $0x8000  }
0x11: {  	[sflag:s7] =	ssyncset.done $0x0  }
0x12: {  	[sflag:s7] =	ssyncadd.s32 $0xFFFF8000  }
0x13: {  	v0 =	vld [tilespmem:$0x0]  }
0x14: {  	v1 =	vld [tilespmem:$0x10]  }
0x15: {  	v2 =	vld [tilespmem:$0x20]  }
0x16: {  	s11 =	simm.s32 $0x0;
	v3 =	vld [tilespmem:$0x30]  }
0x17: {  	v6 =	vld [tilespmem:s11+$0x80]  }
0x18: {  	v7 =	vld [tilespmem:$0x40]  }
0x19: {  	s12 =	simm.s32 $0x10;
	v8 =	vld [tilespmem:$0x50]  }
0x1a: {  	v9 =	vld [tilespmem:s12+$0x80];
	vm0 =	vgt.s32 v0, $0x0;
	vm1 =	vgt.s32 v1, $0x0  }
0x1b: {  	v4 =	vnsel vm0, $0x0, v0;
	v5 =	vnsel vm1, $0x0, v1;
	vm0 =	vgt.s32 v2, $0x0  }
0x1c: {  	vm1 =	vgt.s32 v6, $0x0;
	v0 =	vnsel vm0, $0x0, v2;
	vm0 =	vgt.s32 v3, $0x0  }
0x1d: {  	v1 =	vnsel vm0, $0x0, v3;
	v3 =	vnsel vm1, $0x0, v6;
	vm0 =	vgt.s32 v7, $0x0  }
0x1e: {  	v2 =	vnsel vm0, $0x0, v7;
	vm0 =	vgt.s32 v8, $0x0;
	v6 =	vmin.u32 v3, $0x59  }
0x1f: {  	v3 =	vnsel vm0, $0x0, v8;
	vm0 =	vgt.s32 v9, $0x0;
	v10 =	vand.u32 $0xF, v6  }
0x20: {  	v6 =	vshrl.u32 v6, $0x4;
	v7 =	vperm.xlane v4, v10;
	v11 =	vperm.xlane v5, v10  }
0x21: {  	v8 =	vnsel vm0, $0x0, v9;
	vm0 =	veq.s32 v6, $0x1;
	v9 =	vperm.xlane v0, v10  }
0x22: {  	s13 =	simm.s32 $0x20;
	v7 =	vsel vm0, v11, v7;
	vm0 =	veq.s32 v6, $0x2  }
0x23: {  	v12 =	vsel vm0, v9, v7;
	v7 =	vld [tilespmem:s13+$0x80]  }
0x24: {  	v11 =	vperm.xlane v1, v10  }
0x25: {  	vm0 =	veq.s32 v6, $0x3;
	v9 =	vperm.xlane v2, v10  }
0x26: {  	s14 =	simm.s32 $0xC0;
	v10 =	vperm.xlane v3, v10;
	v11 =	vsel vm0, v11, v12;
	vm0 =	veq.s32 v6, $0x4  }
.LBB2_2:
0x27: {  	p0 =	sne.s32 s14, $0x1FFC0;
	v8 =	vmin.u32 v8, $0x59;
	v9 =	vsel vm0, v9, v11;
	vm0 =	veq.s32 v6, $0x5  }
0x28: {  	vm1 =	vgt.s32 v7, $0x0;
	v12 =	vand.u32 $0xF, v8;
	v9 =	vsel vm0, v10, v9  }
.Ltmp0:
0x29: {  	s15 =	sshra.s32 s14, $0x2;
	v6 =	vshrl.u32 v8, $0x4;
	v10 =	vperm.xlane v4, v12;
	v11 =	vperm.xlane v5, v12;
	[tilespmem:s11+$0x8080] =	vst v9;
	s11 =	smov.u32 s12;
	(pc) =	sbr.rel @p0 .LBB2_2-.Ltmp0, $4  }
0x2a: {  	v8 =	vnsel vm1, $0x0, v7;
	vm0 =	veq.s32 v6, $0x1;
	v9 =	vperm.xlane v0, v12;
	s12 =	smov.u32 s13;
	s13 =	smov.u32 s15;
	v7 =	vld [tilespmem:s15+$0x80]  }
0x2b: {  	v10 =	vsel vm0, v11, v10;
	vm0 =	veq.s32 v6, $0x2;
	v11 =	vperm.xlane v1, v12  }
0x2c: {  	v10 =	vsel vm0, v9, v10;
	vm0 =	veq.s32 v6, $0x3;
	v9 =	vperm.xlane v2, v12  }
0x2d: {  	s14 =	sadd.s32 $0x40, s14;
	v11 =	vsel vm0, v11, v10;
	vm0 =	veq.s32 v6, $0x4;
	v10 =	vperm.xlane v3, v12  }
0x2e: {  	v8 =	vmin.u32 v8, $0x59;
	v9 =	vsel vm0, v9, v11;
	vm5 =	veq.s32 v6, $0x5  }
0x2f: {  	vm1 =	vgt.s32 v7, $0x0;
	v51 =	vand.u32 $0xF, v8;
	v9 =	vsel vm5, v10, v9  }
0x30: {  	v8 =	vshrl.u32 v8, $0x4;
	v52 =	vperm.xlane v4, v51;
	v53 =	vperm.xlane v5, v51  }
0x31: {  	v7 =	vnsel vm1, $0x0, v7;
	vm6 =	veq.s32 v8, $0x1;
	v12 =	vperm.xlane v0, v51  }
0x32: {  	vm7 =	veq.s32 v8, $0x2;
	v54 =	vperm.xlane v1, v51;
	vm8 =	veq.s32 v8, $0x3  }
0x33: {  	v55 =	vperm.xlane v2, v51;
	vm9 =	veq.s32 v8, $0x4;
	v6 =	vperm.xlane v3, v51  }
0x34: {  	vm10 =	veq.s32 v8, $0x5;
	v7 =	vmin.u32 v7, $0x59;
	v10 =	vsel vm6, v53, v52  }
0x35: {  	v56 =	vand.u32 $0xF, v7;
	v7 =	vshrl.u32 v7, $0x4;
	v10 =	vsel vm7, v12, v10  }
0x36: {  	v57 =	vperm.xlane v4, v56;
	v58 =	vperm.xlane v5, v56;
	vm11 =	veq.s32 v7, $0x1  }
0x37: {  	v59 =	vperm.xlane v0, v56;
	vm12 =	veq.s32 v7, $0x2;
	v60 =	vperm.xlane v1, v56  }
0x38: {  	vm13 =	veq.s32 v7, $0x3;
	v61 =	vperm.xlane v2, v56;
	v4 =	vsel vm11, v58, v57  }
0x39: {  	vm14 =	veq.s32 v7, $0x4;
	v10 =	vsel vm8, v54, v10;
	v0 =	vsel vm12, v59, v4  }
0x3a: {  	v62 =	vperm.xlane v3, v56;
	v10 =	vsel vm9, v55, v10;
	v0 =	vsel vm13, v60, v0  }
0x3b: {  	s10 =	sadd.s32 $0x1, s10;
	[tilespmem:s11+$0x8080] =	vst v9;
	vm15 =	veq.s32 v7, $0x5;
	v63 =	vsel vm10, v6, v10;
	v0 =	vsel vm14, v61, v0  }
0x3c: {  	p0 =	sne.s32 s10, s6;
	[tilespmem:s12+$0x8080] =	vst v63;
	v0 =	vsel vm15, v62, v0  }
.Ltmp1:
0x3d: {  	[tilespmem:s13+$0x8080] =	vst v0;
	(pc) =	sbr.rel @p0 .LBB2_1-.Ltmp1, $4  }
0x3e: {  	[hbm4b:s5+s3] =	stream.linear.scatter [tilespmem:s9], [sflag:$0x1], $0x8000, $0x38;
	[tilespmem:$0x10080] =	vst v63  }
0x3f: {  	_ =	swait.ge [sflag:s7], $0x8000  }
0x40: {  	[sflag:s7] =	ssyncset.done $0x0  }
0x41: {  	[sflag:s7] =	ssyncadd.s32 $0xFFFF8000  }
0x42: {  	_ =	sfence.sel $0x180000  }
0x43: {  	[bflag:$0x0] =	sbarrier.arrive $0xFFFF  }
0x44: {  	p0 =	sne.s32 s2, $0x0;
	_ =	strace $0x90000047  }
0x45: {  	s0 =	sadd.s32 @!p0 $0x100000, s0;
	[bflag:$0x2] =	sbarrier.arrive $0xFFFF  }
0x46: {  	[sflag:s0] =	ssyncadd.tile.s32 @!p0 $0x1;
	_ =	shalt  }
.Lfunc_end2:
_tile_overlayer_lowered:
.L_overlay_start_2:
0x47: {  	(tag) =	ssettag $0x2  }
0x48: {  	s0 =	rddreg [dreg:$0x0];
	s2 =	stileid.u32  }
0x49: {  	s1 =	rddreg [dreg:$0x1];
	p0 =	sne.s32 s2, $0x0  }
0x4a: {  	s3 =	rddreg [dreg:$0x2];
	[bflag:$0x3] =	sbarrier.arrive $0xFFFF;
	s2 =	simm.s32 @!p0 $0x1C01  }
0x4b: {  	[timem:s3], [sflag:s2] =	dma.local @!p0 [hbm:s0], s1  }
0x4c: {  	s0 =	simm.s32 @!p0 $0x1  }
0x4d: {  	_ =	swait.ge @!p0 [sflag:s0], s1  }
0x4e: {  	s1 =	ssub.s32 @!p0 $0x0, s1;
	[sflag:s0] =	ssyncset.done @!p0 $0x0  }
0x4f: {  	[sflag:s0] =	ssyncadd.s32 @!p0 s1  }
0x50: {  	[bflag:$0x3] =	sbarrier.arrive $0xFFFF  }
0x51: {  	_ =	shalt  }

</sc_bundles>
